<compile_context>
chip_gen: v7x
topology: tpu7x:2x2x1
jax: 0.10.2.dev20260603
libtpu: 0.0.44.dev20260713+nightly
codegen_flags: <defaults>
</compile_context>

<pallas_src>
import jax
import jax.numpy as jnp
from jax import lax
from jax.experimental import pallas as pl
from jax.experimental.pallas import tpu as pltpu
from jax.experimental.pallas import tpu_sc as plsc

N = 10
E_PAD = 96
NPAD = 16


def _adj_sc_kernel(src_hbm, dst_hbm, a_hbm, src_v, dst_v, dis_v, a_v):
    cid = lax.axis_index("c")
    sid = lax.axis_index("s")

    @pl.when(jnp.logical_and(cid == 0, sid == 0))
    def _():
        pltpu.sync_copy(src_hbm, src_v)
        pltpu.sync_copy(dst_hbm, dst_v)
        zero = jnp.zeros((NPAD,), jnp.float32)
        dis_v[...] = zero
        for r in range(NPAD):
            a_v[r, :] = zero
        ones = jnp.ones((NPAD,), jnp.float32)
        for i in range(E_PAD // NPAD):
            d = dst_v[pl.ds(i * NPAD, NPAD)]
            plsc.addupdate_scatter(dis_v, [d], ones)
        deg = dis_v[...] + 1.0
        ib = plsc.bitcast(deg, jnp.int32)
        y = plsc.bitcast(jnp.full((NPAD,), 0x5F3759DF, jnp.int32) - (ib >> 1),
                         jnp.float32)
        for _ in range(4):
            y = y * (1.5 - 0.5 * deg * y * y)
        dis_v[...] = y
        for i in range(E_PAD // NPAD):
            s = src_v[pl.ds(i * NPAD, NPAD)]
            d = dst_v[pl.ds(i * NPAD, NPAD)]
            dis_s = plsc.load_gather(dis_v, [s])
            dis_d = plsc.load_gather(dis_v, [d])
            plsc.addupdate_scatter(a_v, [d, s], dis_s * dis_d)
        iot = lax.iota(jnp.int32, 16)
        plsc.addupdate_scatter(a_v, [iot, iot], y * y)
        pltpu.sync_copy(a_v, a_hbm)


def _build_adjacency(src, dst):
    mesh = plsc.VectorSubcoreMesh(core_axis_name="c", subcore_axis_name="s",
                                  num_cores=2)
    return pl.kernel(
        _adj_sc_kernel,
        mesh=mesh,
        compiler_params=pltpu.CompilerParams(needs_layout_passes=False,
                                             skip_device_barrier=True),
        out_type=jax.ShapeDtypeStruct((NPAD, NPAD), jnp.float32),
        scratch_types=[
            pltpu.VMEM((E_PAD,), jnp.int32),
            pltpu.VMEM((E_PAD,), jnp.int32),
            pltpu.VMEM((NPAD,), jnp.float32),
            pltpu.VMEM((NPAD, NPAD), jnp.float32),
        ],
    )(src, dst)


def _dense_kernel(a_ref, x_ref, b1_ref, b2_ref, bc_ref,
                  w1_hbm, w2_hbm, wc_hbm, out_ref,
                  w1_v, w2_v, wc_v, sem1, sem2, semc):
    f32 = jnp.float32
    cp1 = pltpu.make_async_copy(w1_hbm, w1_v, sem1)
    cp2 = pltpu.make_async_copy(w2_hbm, w2_v, sem2)
    cpc = pltpu.make_async_copy(wc_hbm, wc_v, semc)
    cp1.start()
    cp2.start()
    cpc.start()
    A = a_ref[:N, :N]
    cp1.wait()
    xw = jnp.dot(x_ref[:, :], w1_v[:, :], preferred_element_type=f32)
    h1 = jnp.maximum(jnp.dot(A, xw, preferred_element_type=f32)
                     + b1_ref[:, :], 0.0)
    cp2.wait()
    hw = jnp.dot(h1, w2_v[:, :], preferred_element_type=f32)
    h2 = jnp.maximum(jnp.dot(A, hw, preferred_element_type=f32)
                     + b2_ref[:, :], 0.0)
    cpc.wait()
    logits = bc_ref[:, :]
    for n in range(N):
        logits = logits + jnp.dot(h2[n:n + 1, :], wc_v[n],
                                  preferred_element_type=f32)
    m = jnp.max(logits, axis=1, keepdims=True)
    p = jnp.exp(logits - m)
    out_ref[:, :] = p / jnp.sum(p, axis=1, keepdims=True)


@jax.jit
def kernel(x, edge_index, W1, b1, W2, b2, Wc, bc):
    E = edge_index.shape[1]
    ei = edge_index.astype(jnp.int32)
    pad = jnp.full((2, E_PAD - E), 15, dtype=jnp.int32)
    ei = jnp.concatenate([ei, pad], axis=1)
    A = _build_adjacency(ei[0], ei[1])

    inf, hid = W1.shape
    ncls = Wc.shape[1]
    vmem = pl.BlockSpec(memory_space=pltpu.MemorySpace.VMEM)
    hbm = pl.BlockSpec(memory_space=pltpu.MemorySpace.HBM)
    out = pl.pallas_call(
        _dense_kernel,
        out_shape=jax.ShapeDtypeStruct((1, ncls), jnp.float32),
        in_specs=[vmem, vmem, vmem, vmem, vmem, hbm, hbm, hbm],
        out_specs=vmem,
        scratch_shapes=[
            pltpu.VMEM((inf, hid), jnp.float32),
            pltpu.VMEM((hid, hid), jnp.float32),
            pltpu.VMEM((N, hid, ncls), jnp.float32),
            pltpu.SemaphoreType.DMA,
            pltpu.SemaphoreType.DMA,
            pltpu.SemaphoreType.DMA,
        ],
    )(A, x, b1.reshape(1, hid), b2.reshape(1, hid), bc.reshape(1, ncls),
      W1, W2, Wc.reshape(N, hid, ncls))
    return out

# --- scband reference (transcript-rebuilt; emitter-appended) ---
"""Pipeline reference for scband-sensor-gnn-75110388072633 (READ-ONLY COPY).

The authoritative reference and input builder live on the scoring server;
editing this copy changes nothing except your own understanding.
"""

import jax, jax.numpy as jnp
import numpy as np

N = 10  # structurally fixed by classifier = Linear(hidden*10, n_classes)
IN_F = 512
HID = 1024
NCLS = 6
E = 90


def gcn_conv(x, edge_index, W, b):
    # PyG GCNConv: add self-loops, symmetric normalization deg^-1/2 (A+I) deg^-1/2, then XW + b
    loop = jnp.arange(N, dtype=edge_index.dtype)
    src = jnp.concatenate([edge_index[0], loop])
    dst = jnp.concatenate([edge_index[1], loop])
    deg = jnp.zeros((N,), x.dtype).at[dst].add(1.0)
    dis = jnp.where(deg > 0, deg ** -0.5, 0.0)
    norm = dis[src] * dis[dst]
    h = x @ W  # linear transform
    msg = h[src] * norm[:, None]  # gather + scale
    out = jnp.zeros((N, W.shape[1]), x.dtype).at[dst].add(msg)  # scatter-add
    return out + b


def setup_inputs(seed: int = 0) -> dict:
    key = jax.random.key(seed)
    ks = jax.random.split(key, 8)
    x = jax.random.normal(ks[0], (N, IN_F), dtype=jnp.float32)
    edge_index = jax.random.randint(ks[1], (2, E), 0, N, dtype=jnp.int64)
    W1 = jax.random.normal(ks[2], (IN_F, HID), dtype=jnp.float32) * 0.02
    b1 = jnp.zeros((HID,), dtype=jnp.float32)
    W2 = jax.random.normal(ks[3], (HID, HID), dtype=jnp.float32) * 0.02
    b2 = jnp.zeros((HID,), dtype=jnp.float32)
    Wc = jax.random.normal(ks[4], (HID * N, NCLS), dtype=jnp.float32) * 0.02
    bc = jnp.zeros((NCLS,), dtype=jnp.float32)
    return {"x": x, "edge_index": edge_index, "W1": W1, "b1": b1, "W2": W2, "b2": b2, "Wc": Wc, "bc": bc}


def reference(x, edge_index, W1, b1, W2, b2, Wc, bc):
    h = jax.nn.relu(gcn_conv(x, edge_index, W1, b1))
    h = jax.nn.relu(gcn_conv(h, edge_index, W2, b2))
    flat = h.reshape(-1)[None, :]  # x.flatten().unsqueeze(0)
    logits = flat @ Wc + bc
    return jax.nn.softmax(logits, axis=1)

if __name__ == "__main__":
    import jax
    _d = setup_inputs()
    print(jax.jit(kernel)(*tuple(_d.values())))

</pallas_src>

<mosaic_0001>
#map = affine_map<(d0, d1) -> (0)>
#map1 = affine_map<(d0, d1) -> (0, 0)>
module attributes {stable_mosaic.version = 14 : i64} {
  func.func @_adj_sc_kernel(%arg0: i32, %arg1: i32, %arg2: memref<96xi32, #tpu.memory_space<hbm>>, %arg3: memref<96xi32, #tpu.memory_space<hbm>>, %arg4: memref<16x16xf32, #tpu.memory_space<hbm>>, %arg5: memref<96xi32, #tpu.memory_space<vmem>>, %arg6: memref<96xi32, #tpu.memory_space<vmem>>, %arg7: memref<16xf32, #tpu.memory_space<vmem>>, %arg8: memref<16x16xf32, #tpu.memory_space<vmem>>) attributes {dimension_semantics = [#tpu.dimension_semantics<core_parallel>, #tpu.dimension_semantics<subcore_parallel>], iteration_bounds = array<i64: 2, 16>, scalar_prefetch = 0 : i64, scratch_operands = 4 : i64, tpu.core_type = #tpu.core_type<sc_vector_subcore>, window_params = [{transform_indices = #map}, {transform_indices = #map}, {transform_indices = #map1}]} {
    %eq3A = arith.constant 0 : i32
    %eq3A_0 = arith.cmpi eq, %arg0, %eq3A : i32
    %eq3A_1 = arith.constant 0 : i32
    %eq3A_2 = arith.cmpi eq, %arg1, %eq3A_1 : i32
    %and3A = arith.andi %eq3A_0, %eq3A_2 : i1
    %convert_element_type3A = arith.extui %and3A : i1 to i32
    %cond3A = arith.constant 0 : i32
    %cond3A_3 = arith.cmpi ne, %convert_element_type3A, %cond3A : i32
    scf.if %cond3A_3 {
      "tpu.region"() ({
        %run_scoped3A = tpu.sem_alloc : memref<!tpu.dma_semaphore, #tpu.memory_space<semaphore_mem>>
        tpu.enqueue_dma source(%arg2 : memref<96xi32, #tpu.memory_space<hbm>>) target(%arg5 : memref<96xi32, #tpu.memory_space<vmem>>) target_semaphore(%run_scoped3A : memref<!tpu.dma_semaphore, #tpu.memory_space<semaphore_mem>>)
        tpu.wait_dma2 semaphore(%run_scoped3A : memref<!tpu.dma_semaphore, #tpu.memory_space<semaphore_mem>>) src(%arg2 : memref<96xi32, #tpu.memory_space<hbm>>) dst(%arg5 : memref<96xi32, #tpu.memory_space<vmem>>)
        tpu.yield
      }) : () -> ()
      "tpu.region"() ({
        %run_scoped3A = tpu.sem_alloc : memref<!tpu.dma_semaphore, #tpu.memory_space<semaphore_mem>>
        tpu.enqueue_dma source(%arg3 : memref<96xi32, #tpu.memory_space<hbm>>) target(%arg6 : memref<96xi32, #tpu.memory_space<vmem>>) target_semaphore(%run_scoped3A : memref<!tpu.dma_semaphore, #tpu.memory_space<semaphore_mem>>)
        tpu.wait_dma2 semaphore(%run_scoped3A : memref<!tpu.dma_semaphore, #tpu.memory_space<semaphore_mem>>) src(%arg3 : memref<96xi32, #tpu.memory_space<hbm>>) dst(%arg6 : memref<96xi32, #tpu.memory_space<vmem>>)
        tpu.yield
      }) : () -> ()
      %broadcast_in_dim3A = arith.constant 0.000000e+00 : f32
      %broadcast_in_dim3A_4 = vector.broadcast %broadcast_in_dim3A : f32 to vector<16xf32>
      %swap3A = arith.constant 0 : index
      %swap3A_5 = tpu.vector_load %arg7[%swap3A] {strides = array<i32>} : memref<16xf32, #tpu.memory_space<vmem>>, vector<16xf32>,
      tpu.vector_store %arg7[%swap3A], %broadcast_in_dim3A_4 {strides = array<i32>} : memref<16xf32, #tpu.memory_space<vmem>>, vector<16xf32>,
      %swap3A_6 = arith.constant 0 : i32
      %swap3A_7 = arith.index_cast %swap3A_6 : i32 to index
      %swap3A_8 = arith.constant 0 : index
      %swap3A_9 = tpu.vector_load %arg8[%swap3A_7, %swap3A_8] {strides = array<i32>} : memref<16x16xf32, #tpu.memory_space<vmem>>, vector<16xf32>,
      tpu.vector_store %arg8[%swap3A_7, %swap3A_8], %broadcast_in_dim3A_4 {strides = array<i32>} : memref<16x16xf32, #tpu.memory_space<vmem>>, vector<16xf32>,
      %swap3A_10 = arith.constant 1 : i32
      %swap3A_11 = arith.index_cast %swap3A_10 : i32 to index
      %swap3A_12 = arith.constant 0 : index
      %swap3A_13 = tpu.vector_load %arg8[%swap3A_11, %swap3A_12] {strides = array<i32>} : memref<16x16xf32, #tpu.memory_space<vmem>>, vector<16xf32>,
      tpu.vector_store %arg8[%swap3A_11, %swap3A_12], %broadcast_in_dim3A_4 {strides = array<i32>} : memref<16x16xf32, #tpu.memory_space<vmem>>, vector<16xf32>,
      %swap3A_14 = arith.constant 2 : i32
      %swap3A_15 = arith.index_cast %swap3A_14 : i32 to index
      %swap3A_16 = arith.constant 0 : index
      %swap3A_17 = tpu.vector_load %arg8[%swap3A_15, %swap3A_16] {strides = array<i32>} : memref<16x16xf32, #tpu.memory_space<vmem>>, vector<16xf32>,
      tpu.vector_store %arg8[%swap3A_15, %swap3A_16], %broadcast_in_dim3A_4 {strides = array<i32>} : memref<16x16xf32, #tpu.memory_space<vmem>>, vector<16xf32>,
      %swap3A_18 = arith.constant 3 : i32
      %swap3A_19 = arith.index_cast %swap3A_18 : i32 to index
      %swap3A_20 = arith.constant 0 : index
      %swap3A_21 = tpu.vector_load %arg8[%swap3A_19, %swap3A_20] {strides = array<i32>} : memref<16x16xf32, #tpu.memory_space<vmem>>, vector<16xf32>,
      tpu.vector_store %arg8[%swap3A_19, %swap3A_20], %broadcast_in_dim3A_4 {strides = array<i32>} : memref<16x16xf32, #tpu.memory_space<vmem>>, vector<16xf32>,
      %swap3A_22 = arith.constant 4 : i32
      %swap3A_23 = arith.index_cast %swap3A_22 : i32 to index
      %swap3A_24 = arith.constant 0 : index
      %swap3A_25 = tpu.vector_load %arg8[%swap3A_23, %swap3A_24] {strides = array<i32>} : memref<16x16xf32, #tpu.memory_space<vmem>>, vector<16xf32>,
      tpu.vector_store %arg8[%swap3A_23, %swap3A_24], %broadcast_in_dim3A_4 {strides = array<i32>} : memref<16x16xf32, #tpu.memory_space<vmem>>, vector<16xf32>,
      %swap3A_26 = arith.constant 5 : i32
      %swap3A_27 = arith.index_cast %swap3A_26 : i32 to index
      %swap3A_28 = arith.constant 0 : index
      %swap3A_29 = tpu.vector_load %arg8[%swap3A_27, %swap3A_28] {strides = array<i32>} : memref<16x16xf32, #tpu.memory_space<vmem>>, vector<16xf32>,
      tpu.vector_store %arg8[%swap3A_27, %swap3A_28], %broadcast_in_dim3A_4 {strides = array<i32>} : memref<16x16xf32, #tpu.memory_space<vmem>>, vector<16xf32>,
      %swap3A_30 = arith.constant 6 : i32
      %swap3A_31 = arith.index_cast %swap3A_30 : i32 to index
      %swap3A_32 = arith.constant 0 : index
      %swap3A_33 = tpu.vector_load %arg8[%swap3A_31, %swap3A_32] {strides = array<i32>} : memref<16x16xf32, #tpu.memory_space<vmem>>, vector<16xf32>,
      tpu.vector_store %arg8[%swap3A_31, %swap3A_32], %broadcast_in_dim3A_4 {strides = array<i32>} : memref<16x16xf32, #tpu.memory_space<vmem>>, vector<16xf32>,
      %swap3A_34 = arith.constant 7 : i32
      %swap3A_35 = arith.index_cast %swap3A_34 : i32 to index
      %swap3A_36 = arith.constant 0 : index
      %swap3A_37 = tpu.vector_load %arg8[%swap3A_35, %swap3A_36] {strides = array<i32>} : memref<16x16xf32, #tpu.memory_space<vmem>>, vector<16xf32>,
      tpu.vector_store %arg8[%swap3A_35, %swap3A_36], %broadcast_in_dim3A_4 {strides = array<i32>} : memref<16x16xf32, #tpu.memory_space<vmem>>, vector<16xf32>,
      %swap3A_38 = arith.constant 8 : i32
      %swap3A_39 = arith.index_cast %swap3A_38 : i32 to index
      %swap3A_40 = arith.constant 0 : index
      %swap3A_41 = tpu.vector_load %arg8[%swap3A_39, %swap3A_40] {strides = array<i32>} : memref<16x16xf32, #tpu.memory_space<vmem>>, vector<16xf32>,
      tpu.vector_store %arg8[%swap3A_39, %swap3A_40], %broadcast_in_dim3A_4 {strides = array<i32>} : memref<16x16xf32, #tpu.memory_space<vmem>>, vector<16xf32>,
      %swap3A_42 = arith.constant 9 : i32
      %swap3A_43 = arith.index_cast %swap3A_42 : i32 to index
      %swap3A_44 = arith.constant 0 : index
      %swap3A_45 = tpu.vector_load %arg8[%swap3A_43, %swap3A_44] {strides = array<i32>} : memref<16x16xf32, #tpu.memory_space<vmem>>, vector<16xf32>,
      tpu.vector_store %arg8[%swap3A_43, %swap3A_44], %broadcast_in_dim3A_4 {strides = array<i32>} : memref<16x16xf32, #tpu.memory_space<vmem>>, vector<16xf32>,
      %swap3A_46 = arith.constant 10 : i32
      %swap3A_47 = arith.index_cast %swap3A_46 : i32 to index
      %swap3A_48 = arith.constant 0 : index
      %swap3A_49 = tpu.vector_load %arg8[%swap3A_47, %swap3A_48] {strides = array<i32>} : memref<16x16xf32, #tpu.memory_space<vmem>>, vector<16xf32>,
      tpu.vector_store %arg8[%swap3A_47, %swap3A_48], %broadcast_in_dim3A_4 {strides = array<i32>} : memref<16x16xf32, #tpu.memory_space<vmem>>, vector<16xf32>,
      %swap3A_50 = arith.constant 11 : i32
      %swap3A_51 = arith.index_cast %swap3A_50 : i32 to index
      %swap3A_52 = arith.constant 0 : index
      %swap3A_53 = tpu.vector_load %arg8[%swap3A_51, %swap3A_52] {strides = array<i32>} : memref<16x16xf32, #tpu.memory_space<vmem>>, vector<16xf32>,
      tpu.vector_store %arg8[%swap3A_51, %swap3A_52], %broadcast_in_dim3A_4 {strides = array<i32>} : memref<16x16xf32, #tpu.memory_space<vmem>>, vector<16xf32>,
      %swap3A_54 = arith.constant 12 : i32
      %swap3A_55 = arith.index_cast %swap3A_54 : i32 to index
      %swap3A_56 = arith.constant 0 : index
      %swap3A_57 = tpu.vector_load %arg8[%swap3A_55, %swap3A_56] {strides = array<i32>} : memref<16x16xf32, #tpu.memory_space<vmem>>, vector<16xf32>,
      tpu.vector_store %arg8[%swap3A_55, %swap3A_56], %broadcast_in_dim3A_4 {strides = array<i32>} : memref<16x16xf32, #tpu.memory_space<vmem>>, vector<16xf32>,
      %swap3A_58 = arith.constant 13 : i32
      %swap3A_59 = arith.index_cast %swap3A_58 : i32 to index
      %swap3A_60 = arith.constant 0 : index
      %swap3A_61 = tpu.vector_load %arg8[%swap3A_59, %swap3A_60] {strides = array<i32>} : memref<16x16xf32, #tpu.memory_space<vmem>>, vector<16xf32>,
      tpu.vector_store %arg8[%swap3A_59, %swap3A_60], %broadcast_in_dim3A_4 {strides = array<i32>} : memref<16x16xf32, #tpu.memory_space<vmem>>, vector<16xf32>,
      %swap3A_62 = arith.constant 14 : i32
      %swap3A_63 = arith.index_cast %swap3A_62 : i32 to index
      %swap3A_64 = arith.constant 0 : index
      %swap3A_65 = tpu.vector_load %arg8[%swap3A_63, %swap3A_64] {strides = array<i32>} : memref<16x16xf32, #tpu.memory_space<vmem>>, vector<16xf32>,
      tpu.vector_store %arg8[%swap3A_63, %swap3A_64], %broadcast_in_dim3A_4 {strides = array<i32>} : memref<16x16xf32, #tpu.memory_space<vmem>>, vector<16xf32>,
      %swap3A_66 = arith.constant 15 : i32
      %swap3A_67 = arith.index_cast %swap3A_66 : i32 to index
      %swap3A_68 = arith.constant 0 : index
      %swap3A_69 = tpu.vector_load %arg8[%swap3A_67, %swap3A_68] {strides = array<i32>} : memref<16x16xf32, #tpu.memory_space<vmem>>, vector<16xf32>,
      tpu.vector_store %arg8[%swap3A_67, %swap3A_68], %broadcast_in_dim3A_4 {strides = array<i32>} : memref<16x16xf32, #tpu.memory_space<vmem>>, vector<16xf32>,
      %broadcast_in_dim3A_70 = arith.constant 1.000000e+00 : f32
      %broadcast_in_dim3A_71 = vector.broadcast %broadcast_in_dim3A_70 : f32 to vector<16xf32>
      %get3A = arith.constant 0 : index
      %get3A_72 = tpu.vector_load %arg6[%get3A] {strides = array<i32>} : memref<96xi32, #tpu.memory_space<vmem>>, vector<16xi32>,
      tpu.vector_store_idx %arg7[%get3A_72], %broadcast_in_dim3A_71 {add = true} : memref<16xf32, #tpu.memory_space<vmem>>[vector<16xi32>], vector<16xf32>,
      %get3A_73 = arith.constant 16 : index
      %get3A_74 = tpu.vector_load %arg6[%get3A_73] {strides = array<i32>} : memref<96xi32, #tpu.memory_space<vmem>>, vector<16xi32>,
      tpu.vector_store_idx %arg7[%get3A_74], %broadcast_in_dim3A_71 {add = true} : memref<16xf32, #tpu.memory_space<vmem>>[vector<16xi32>], vector<16xf32>,
      %get3A_75 = arith.constant 32 : index
      %get3A_76 = tpu.vector_load %arg6[%get3A_75] {strides = array<i32>} : memref<96xi32, #tpu.memory_space<vmem>>, vector<16xi32>,
      tpu.vector_store_idx %arg7[%get3A_76], %broadcast_in_dim3A_71 {add = true} : memref<16xf32, #tpu.memory_space<vmem>>[vector<16xi32>], vector<16xf32>,
      %get3A_77 = arith.constant 48 : index
      %get3A_78 = tpu.vector_load %arg6[%get3A_77] {strides = array<i32>} : memref<96xi32, #tpu.memory_space<vmem>>, vector<16xi32>,
      tpu.vector_store_idx %arg7[%get3A_78], %broadcast_in_dim3A_71 {add = true} : memref<16xf32, #tpu.memory_space<vmem>>[vector<16xi32>], vector<16xf32>,
      %get3A_79 = arith.constant 64 : index
      %get3A_80 = tpu.vector_load %arg6[%get3A_79] {strides = array<i32>} : memref<96xi32, #tpu.memory_space<vmem>>, vector<16xi32>,
      tpu.vector_store_idx %arg7[%get3A_80], %broadcast_in_dim3A_71 {add = true} : memref<16xf32, #tpu.memory_space<vmem>>[vector<16xi32>], vector<16xf32>,
      %get3A_81 = arith.constant 80 : index
      %get3A_82 = tpu.vector_load %arg6[%get3A_81] {strides = array<i32>} : memref<96xi32, #tpu.memory_space<vmem>>, vector<16xi32>,
      tpu.vector_store_idx %arg7[%get3A_82], %broadcast_in_dim3A_71 {add = true} : memref<16xf32, #tpu.memory_space<vmem>>[vector<16xi32>], vector<16xf32>,
      %get3A_83 = arith.constant 0 : index
      %get3A_84 = tpu.vector_load %arg7[%get3A_83] {strides = array<i32>} : memref<16xf32, #tpu.memory_space<vmem>>, vector<16xf32>,
      %add3A = arith.constant 1.000000e+00 : f32
      %add3A_85 = vector.broadcast %add3A : f32 to vector<16xf32>
      %add3A_86 = arith.addf %get3A_84, %add3A_85 : vector<16xf32>
      %bitcast3A = vector.bitcast %add3A_86 : vector<16xf32> to vector<16xi32>
      %broadcast_in_dim3A_87 = arith.constant 1597463007 : i32
      %broadcast_in_dim3A_88 = vector.broadcast %broadcast_in_dim3A_87 : i32 to vector<16xi32>
      %shift_right_arithmetic3A = arith.constant 1 : i32
      %shift_right_arithmetic3A_89 = vector.broadcast %shift_right_arithmetic3A : i32 to vector<16xi32>
      %shift_right_arithmetic3A_90 = arith.shrsi %bitcast3A, %shift_right_arithmetic3A_89 : vector<16xi32>
      %sub3A = arith.subi %broadcast_in_dim3A_88, %shift_right_arithmetic3A_90 : vector<16xi32>
      %bitcast3A_91 = vector.bitcast %sub3A : vector<16xi32> to vector<16xf32>
      %mul3A = arith.constant 5.000000e-01 : f32
      %mul3A_92 = vector.broadcast %mul3A : f32 to vector<16xf32>
      %mul3A_93 = arith.mulf %mul3A_92, %add3A_86 : vector<16xf32>
      %mul3A_94 = arith.mulf %mul3A_93, %bitcast3A_91 : vector<16xf32>
      %mul3A_95 = arith.mulf %mul3A_94, %bitcast3A_91 : vector<16xf32>
      %sub3A_96 = arith.constant 1.500000e+00 : f32
      %sub3A_97 = vector.broadcast %sub3A_96 : f32 to vector<16xf32>
      %sub3A_98 = arith.subf %sub3A_97, %mul3A_95 : vector<16xf32>
      %mul3A_99 = arith.mulf %bitcast3A_91, %sub3A_98 : vector<16xf32>
      %mul3A_100 = arith.constant 5.000000e-01 : f32
      %mul3A_101 = vector.broadcast %mul3A_100 : f32 to vector<16xf32>
      %mul3A_102 = arith.mulf %mul3A_101, %add3A_86 : vector<16xf32>
      %mul3A_103 = arith.mulf %mul3A_102, %mul3A_99 : vector<16xf32>
      %mul3A_104 = arith.mulf %mul3A_103, %mul3A_99 : vector<16xf32>
      %sub3A_105 = arith.constant 1.500000e+00 : f32
      %sub3A_106 = vector.broadcast %sub3A_105 : f32 to vector<16xf32>
      %sub3A_107 = arith.subf %sub3A_106, %mul3A_104 : vector<16xf32>
      %mul3A_108 = arith.mulf %mul3A_99, %sub3A_107 : vector<16xf32>
      %mul3A_109 = arith.constant 5.000000e-01 : f32
      %mul3A_110 = vector.broadcast %mul3A_109 : f32 to vector<16xf32>
      %mul3A_111 = arith.mulf %mul3A_110, %add3A_86 : vector<16xf32>
      %mul3A_112 = arith.mulf %mul3A_111, %mul3A_108 : vector<16xf32>
      %mul3A_113 = arith.mulf %mul3A_112, %mul3A_108 : vector<16xf32>
      %sub3A_114 = arith.constant 1.500000e+00 : f32
      %sub3A_115 = vector.broadcast %sub3A_114 : f32 to vector<16xf32>
      %sub3A_116 = arith.subf %sub3A_115, %mul3A_113 : vector<16xf32>
      %mul3A_117 = arith.mulf %mul3A_108, %sub3A_116 : vector<16xf32>
      %mul3A_118 = arith.constant 5.000000e-01 : f32
      %mul3A_119 = vector.broadcast %mul3A_118 : f32 to vector<16xf32>
      %mul3A_120 = arith.mulf %mul3A_119, %add3A_86 : vector<16xf32>
      %mul3A_121 = arith.mulf %mul3A_120, %mul3A_117 : vector<16xf32>
      %mul3A_122 = arith.mulf %mul3A_121, %mul3A_117 : vector<16xf32>
      %sub3A_123 = arith.constant 1.500000e+00 : f32
      %sub3A_124 = vector.broadcast %sub3A_123 : f32 to vector<16xf32>
      %sub3A_125 = arith.subf %sub3A_124, %mul3A_122 : vector<16xf32>
      %mul3A_126 = arith.mulf %mul3A_117, %sub3A_125 : vector<16xf32>
      %swap3A_127 = arith.constant 0 : index
      %swap3A_128 = tpu.vector_load %arg7[%swap3A_127] {strides = array<i32>} : memref<16xf32, #tpu.memory_space<vmem>>, vector<16xf32>,
      tpu.vector_store %arg7[%swap3A_127], %mul3A_126 {strides = array<i32>} : memref<16xf32, #tpu.memory_space<vmem>>, vector<16xf32>,
      %get3A_129 = arith.constant 0 : index
      %get3A_130 = tpu.vector_load %arg5[%get3A_129] {strides = array<i32>} : memref<96xi32, #tpu.memory_space<vmem>>, vector<16xi32>,
      %get3A_131 = arith.constant 0 : index
      %get3A_132 = tpu.vector_load %arg6[%get3A_131] {strides = array<i32>} : memref<96xi32, #tpu.memory_space<vmem>>, vector<16xi32>,
      %gather3A = tpu.vector_load_idx %arg7[%get3A_130] : memref<16xf32, #tpu.memory_space<vmem>>[vector<16xi32>], vector<16xf32>,
      %gather3A_133 = tpu.vector_load_idx %arg7[%get3A_132] : memref<16xf32, #tpu.memory_space<vmem>>[vector<16xi32>], vector<16xf32>,
      %mul3A_134 = arith.mulf %gather3A, %gather3A_133 : vector<16xf32>
      tpu.vector_store_idx %arg8[%get3A_132, %get3A_130], %mul3A_134 {add = true} : memref<16x16xf32, #tpu.memory_space<vmem>>[vector<16xi32>, vector<16xi32>], vector<16xf32>,
      %get3A_135 = arith.constant 16 : index
      %get3A_136 = tpu.vector_load %arg5[%get3A_135] {strides = array<i32>} : memref<96xi32, #tpu.memory_space<vmem>>, vector<16xi32>,
      %get3A_137 = arith.constant 16 : index
      %get3A_138 = tpu.vector_load %arg6[%get3A_137] {strides = array<i32>} : memref<96xi32, #tpu.memory_space<vmem>>, vector<16xi32>,
      %gather3A_139 = tpu.vector_load_idx %arg7[%get3A_136] : memref<16xf32, #tpu.memory_space<vmem>>[vector<16xi32>], vector<16xf32>,
      %gather3A_140 = tpu.vector_load_idx %arg7[%get3A_138] : memref<16xf32, #tpu.memory_space<vmem>>[vector<16xi32>], vector<16xf32>,
      %mul3A_141 = arith.mulf %gather3A_139, %gather3A_140 : vector<16xf32>
      tpu.vector_store_idx %arg8[%get3A_138, %get3A_136], %mul3A_141 {add = true} : memref<16x16xf32, #tpu.memory_space<vmem>>[vector<16xi32>, vector<16xi32>], vector<16xf32>,
      %get3A_142 = arith.constant 32 : index
      %get3A_143 = tpu.vector_load %arg5[%get3A_142] {strides = array<i32>} : memref<96xi32, #tpu.memory_space<vmem>>, vector<16xi32>,
      %get3A_144 = arith.constant 32 : index
      %get3A_145 = tpu.vector_load %arg6[%get3A_144] {strides = array<i32>} : memref<96xi32, #tpu.memory_space<vmem>>, vector<16xi32>,
      %gather3A_146 = tpu.vector_load_idx %arg7[%get3A_143] : memref<16xf32, #tpu.memory_space<vmem>>[vector<16xi32>], vector<16xf32>,
      %gather3A_147 = tpu.vector_load_idx %arg7[%get3A_145] : memref<16xf32, #tpu.memory_space<vmem>>[vector<16xi32>], vector<16xf32>,
      %mul3A_148 = arith.mulf %gather3A_146, %gather3A_147 : vector<16xf32>
      tpu.vector_store_idx %arg8[%get3A_145, %get3A_143], %mul3A_148 {add = true} : memref<16x16xf32, #tpu.memory_space<vmem>>[vector<16xi32>, vector<16xi32>], vector<16xf32>,
      %get3A_149 = arith.constant 48 : index
      %get3A_150 = tpu.vector_load %arg5[%get3A_149] {strides = array<i32>} : memref<96xi32, #tpu.memory_space<vmem>>, vector<16xi32>,
      %get3A_151 = arith.constant 48 : index
      %get3A_152 = tpu.vector_load %arg6[%get3A_151] {strides = array<i32>} : memref<96xi32, #tpu.memory_space<vmem>>, vector<16xi32>,
      %gather3A_153 = tpu.vector_load_idx %arg7[%get3A_150] : memref<16xf32, #tpu.memory_space<vmem>>[vector<16xi32>], vector<16xf32>,
      %gather3A_154 = tpu.vector_load_idx %arg7[%get3A_152] : memref<16xf32, #tpu.memory_space<vmem>>[vector<16xi32>], vector<16xf32>,
      %mul3A_155 = arith.mulf %gather3A_153, %gather3A_154 : vector<16xf32>
      tpu.vector_store_idx %arg8[%get3A_152, %get3A_150], %mul3A_155 {add = true} : memref<16x16xf32, #tpu.memory_space<vmem>>[vector<16xi32>, vector<16xi32>], vector<16xf32>,
      %get3A_156 = arith.constant 64 : index
      %get3A_157 = tpu.vector_load %arg5[%get3A_156] {strides = array<i32>} : memref<96xi32, #tpu.memory_space<vmem>>, vector<16xi32>,
      %get3A_158 = arith.constant 64 : index
      %get3A_159 = tpu.vector_load %arg6[%get3A_158] {strides = array<i32>} : memref<96xi32, #tpu.memory_space<vmem>>, vector<16xi32>,
      %gather3A_160 = tpu.vector_load_idx %arg7[%get3A_157] : memref<16xf32, #tpu.memory_space<vmem>>[vector<16xi32>], vector<16xf32>,
      %gather3A_161 = tpu.vector_load_idx %arg7[%get3A_159] : memref<16xf32, #tpu.memory_space<vmem>>[vector<16xi32>], vector<16xf32>,
      %mul3A_162 = arith.mulf %gather3A_160, %gather3A_161 : vector<16xf32>
      tpu.vector_store_idx %arg8[%get3A_159, %get3A_157], %mul3A_162 {add = true} : memref<16x16xf32, #tpu.memory_space<vmem>>[vector<16xi32>, vector<16xi32>], vector<16xf32>,
      %get3A_163 = arith.constant 80 : index
      %get3A_164 = tpu.vector_load %arg5[%get3A_163] {strides = array<i32>} : memref<96xi32, #tpu.memory_space<vmem>>, vector<16xi32>,
      %get3A_165 = arith.constant 80 : index
      %get3A_166 = tpu.vector_load %arg6[%get3A_165] {strides = array<i32>} : memref<96xi32, #tpu.memory_space<vmem>>, vector<16xi32>,
      %gather3A_167 = tpu.vector_load_idx %arg7[%get3A_164] : memref<16xf32, #tpu.memory_space<vmem>>[vector<16xi32>], vector<16xf32>,
      %gather3A_168 = tpu.vector_load_idx %arg7[%get3A_166] : memref<16xf32, #tpu.memory_space<vmem>>[vector<16xi32>], vector<16xf32>,
      %mul3A_169 = arith.mulf %gather3A_167, %gather3A_168 : vector<16xf32>
      tpu.vector_store_idx %arg8[%get3A_166, %get3A_164], %mul3A_169 {add = true} : memref<16x16xf32, #tpu.memory_space<vmem>>[vector<16xi32>, vector<16xi32>], vector<16xf32>,
      %iota3A = tpu.iota {dimensions = array<i32: 0>} : vector<16xi32>
      %mul3A_170 = arith.mulf %mul3A_126, %mul3A_126 : vector<16xf32>
      tpu.vector_store_idx %arg8[%iota3A, %iota3A], %mul3A_170 {add = true} : memref<16x16xf32, #tpu.memory_space<vmem>>[vector<16xi32>, vector<16xi32>], vector<16xf32>,
      "tpu.region"() ({
        %run_scoped3A = tpu.sem_alloc : memref<!tpu.dma_semaphore, #tpu.memory_space<semaphore_mem>>
        tpu.enqueue_dma source(%arg8 : memref<16x16xf32, #tpu.memory_space<vmem>>) target(%arg4 : memref<16x16xf32, #tpu.memory_space<hbm>>) target_semaphore(%run_scoped3A : memref<!tpu.dma_semaphore, #tpu.memory_space<semaphore_mem>>)
        tpu.wait_dma2 semaphore(%run_scoped3A : memref<!tpu.dma_semaphore, #tpu.memory_space<semaphore_mem>>) src(%arg8 : memref<16x16xf32, #tpu.memory_space<vmem>>) dst(%arg4 : memref<16x16xf32, #tpu.memory_space<hbm>>)
        tpu.yield
      }) : () -> ()
    } else {
    }
    return
  }
}

module attributes {stable_mosaic.version = 14 : i64} {
  func.func @_dense_kernel(%arg0: memref<16x16xf32, #tpu.memory_space<vmem>>, %arg1: memref<10x512xf32, #tpu.memory_space<vmem>>, %arg2: memref<1x1024xf32, #tpu.memory_space<vmem>>, %arg3: memref<1x1024xf32, #tpu.memory_space<vmem>>, %arg4: memref<1x6xf32, #tpu.memory_space<vmem>>, %arg5: memref<512x1024xf32, #tpu.memory_space<hbm>>, %arg6: memref<1024x1024xf32, #tpu.memory_space<hbm>>, %arg7: memref<10x1024x6xf32, #tpu.memory_space<hbm>>, %arg8: memref<1x6xf32, #tpu.memory_space<vmem>>, %arg9: memref<512x1024xf32, #tpu.memory_space<vmem>>, %arg10: memref<1024x1024xf32, #tpu.memory_space<vmem>>, %arg11: memref<10x1024x6xf32, #tpu.memory_space<vmem>>, %arg12: memref<!tpu.dma_semaphore, #tpu.memory_space<semaphore_mem>>, %arg13: memref<!tpu.dma_semaphore, #tpu.memory_space<semaphore_mem>>, %arg14: memref<!tpu.dma_semaphore, #tpu.memory_space<semaphore_mem>>) attributes {dimension_semantics = [], scalar_prefetch = 0 : i64, scratch_operands = 6 : i64, tpu.core_type = #tpu.core_type<tc>} {
    tpu.enqueue_dma source(%arg5 : memref<512x1024xf32, #tpu.memory_space<hbm>>) target(%arg9 : memref<512x1024xf32, #tpu.memory_space<vmem>>) target_semaphore(%arg12 : memref<!tpu.dma_semaphore, #tpu.memory_space<semaphore_mem>>)
    tpu.enqueue_dma source(%arg6 : memref<1024x1024xf32, #tpu.memory_space<hbm>>) target(%arg10 : memref<1024x1024xf32, #tpu.memory_space<vmem>>) target_semaphore(%arg13 : memref<!tpu.dma_semaphore, #tpu.memory_space<semaphore_mem>>)
    tpu.enqueue_dma source(%arg7 : memref<10x1024x6xf32, #tpu.memory_space<hbm>>) target(%arg11 : memref<10x1024x6xf32, #tpu.memory_space<vmem>>) target_semaphore(%arg14 : memref<!tpu.dma_semaphore, #tpu.memory_space<semaphore_mem>>)
    %get3A = arith.constant 0 : index
    %get3A_0 = arith.constant 0 : index
    %get3A_1 = vector.load %arg0[%get3A, %get3A_0] : memref<16x16xf32, #tpu.memory_space<vmem>>, vector<10x10xf32>
    tpu.wait_dma2 semaphore(%arg12 : memref<!tpu.dma_semaphore, #tpu.memory_space<semaphore_mem>>) src(%arg5 : memref<512x1024xf32, #tpu.memory_space<hbm>>) dst(%arg9 : memref<512x1024xf32, #tpu.memory_space<vmem>>)
    %get3A_2 = arith.constant 0 : index
    %get3A_3 = arith.constant 0 : index
    %get3A_4 = vector.load %arg1[%get3A_2, %get3A_3] : memref<10x512xf32, #tpu.memory_space<vmem>>, vector<10x512xf32>
    %get3A_5 = arith.constant 0 : index
    %get3A_6 = arith.constant 0 : index
    %get3A_7 = vector.load %arg9[%get3A_5, %get3A_6] : memref<512x1024xf32, #tpu.memory_space<vmem>>, vector<512x1024xf32>
    %dot_general3A = arith.constant dense<0.000000e+00> : vector<10x1024xf32>
    %dot_general3A_8 = tpu.matmul %get3A_4, %get3A_7, %dot_general3A {dimension_numbers = #tpu.dot_dimension_numbers<[1], [0], [0], [1], [0, 0, 1, 1], [], []>, transpose_lhs_hint = false} : vector<10x512xf32>, vector<512x1024xf32>, vector<10x1024xf32> -> vector<10x1024xf32>
    %dot_general3A_9 = arith.constant dense<0.000000e+00> : vector<10x1024xf32>
    %dot_general3A_10 = tpu.matmul %get3A_1, %dot_general3A_8, %dot_general3A_9 {dimension_numbers = #tpu.dot_dimension_numbers<[1], [0], [0], [1], [0, 0, 1, 1], [], []>, transpose_lhs_hint = false} : vector<10x10xf32>, vector<10x1024xf32>, vector<10x1024xf32> -> vector<10x1024xf32>
    %get3A_11 = arith.constant 0 : index
    %get3A_12 = arith.constant 0 : index
    %get3A_13 = vector.load %arg2[%get3A_11, %get3A_12] : memref<1x1024xf32, #tpu.memory_space<vmem>>, vector<1x1024xf32>
    %add3A = vector.broadcast %get3A_13 : vector<1x1024xf32> to vector<10x1024xf32>
    %add3A_14 = arith.addf %dot_general3A_10, %add3A : vector<10x1024xf32>
    %max3A = arith.constant 0.000000e+00 : f32
    %max3A_15 = vector.broadcast %max3A : f32 to vector<10x1024xf32>
    %max3A_16 = arith.maximumf %add3A_14, %max3A_15 : vector<10x1024xf32>
    tpu.wait_dma2 semaphore(%arg13 : memref<!tpu.dma_semaphore, #tpu.memory_space<semaphore_mem>>) src(%arg6 : memref<1024x1024xf32, #tpu.memory_space<hbm>>) dst(%arg10 : memref<1024x1024xf32, #tpu.memory_space<vmem>>)
    %get3A_17 = arith.constant 0 : index
    %get3A_18 = arith.constant 0 : index
    %get3A_19 = vector.load %arg10[%get3A_17, %get3A_18] : memref<1024x1024xf32, #tpu.memory_space<vmem>>, vector<1024x1024xf32>
    %dot_general3A_20 = arith.constant dense<0.000000e+00> : vector<10x1024xf32>
    %dot_general3A_21 = tpu.matmul %max3A_16, %get3A_19, %dot_general3A_20 {dimension_numbers = #tpu.dot_dimension_numbers<[1], [0], [0], [1], [0, 0, 1, 1], [], []>, transpose_lhs_hint = false} : vector<10x1024xf32>, vector<1024x1024xf32>, vector<10x1024xf32> -> vector<10x1024xf32>
    %dot_general3A_22 = arith.constant dense<0.000000e+00> : vector<10x1024xf32>
    %dot_general3A_23 = tpu.matmul %get3A_1, %dot_general3A_21, %dot_general3A_22 {dimension_numbers = #tpu.dot_dimension_numbers<[1], [0], [0], [1], [0, 0, 1, 1], [], []>, transpose_lhs_hint = false} : vector<10x10xf32>, vector<10x1024xf32>, vector<10x1024xf32> -> vector<10x1024xf32>
    %get3A_24 = arith.constant 0 : index
    %get3A_25 = arith.constant 0 : index
    %get3A_26 = vector.load %arg3[%get3A_24, %get3A_25] : memref<1x1024xf32, #tpu.memory_space<vmem>>, vector<1x1024xf32>
    %add3A_27 = vector.broadcast %get3A_26 : vector<1x1024xf32> to vector<10x1024xf32>
    %add3A_28 = arith.addf %dot_general3A_23, %add3A_27 : vector<10x1024xf32>
    %max3A_29 = arith.constant 0.000000e+00 : f32
    %max3A_30 = vector.broadcast %max3A_29 : f32 to vector<10x1024xf32>
    %max3A_31 = arith.maximumf %add3A_28, %max3A_30 : vector<10x1024xf32>
    tpu.wait_dma2 semaphore(%arg14 : memref<!tpu.dma_semaphore, #tpu.memory_space<semaphore_mem>>) src(%arg7 : memref<10x1024x6xf32, #tpu.memory_space<hbm>>) dst(%arg11 : memref<10x1024x6xf32, #tpu.memory_space<vmem>>)
    %get3A_32 = arith.constant 0 : index
    %get3A_33 = arith.constant 0 : index
    %get3A_34 = vector.load %arg4[%get3A_32, %get3A_33] : memref<1x6xf32, #tpu.memory_space<vmem>>, vector<1x6xf32>
    %slice3A = vector.extract_strided_slice %max3A_31 {offsets = [0, 0], sizes = [1, 1024], strides = [1, 1]} : vector<10x1024xf32> to vector<1x1024xf32>
    %get3A_35 = arith.constant 0 : index
    %get3A_36 = arith.constant 0 : index
    %get3A_37 = arith.constant 0 : index
    %get3A_38 = vector.load %arg11[%get3A_35, %get3A_36, %get3A_37] : memref<10x1024x6xf32, #tpu.memory_space<vmem>>, vector<1x1024x6xf32>
    %get3A_39 = vector.shape_cast %get3A_38 : vector<1x1024x6xf32> to vector<1024x6xf32>
    %dot_general3A_40 = arith.constant dense<0.000000e+00> : vector<1x6xf32>
    %dot_general3A_41 = tpu.matmul %slice3A, %get3A_39, %dot_general3A_40 {dimension_numbers = #tpu.dot_dimension_numbers<[1], [0], [0], [1], [0, 0, 1, 1], [], []>, transpose_lhs_hint = false} : vector<1x1024xf32>, vector<1024x6xf32>, vector<1x6xf32> -> vector<1x6xf32>
    %add3A_42 = arith.addf %get3A_34, %dot_general3A_41 : vector<1x6xf32>
    %slice3A_43 = vector.extract_strided_slice %max3A_31 {offsets = [1, 0], sizes = [1, 1024], strides = [1, 1]} : vector<10x1024xf32> to vector<1x1024xf32>
    %get3A_44 = arith.constant 1 : index
    %get3A_45 = arith.constant 0 : index
    %get3A_46 = arith.constant 0 : index
    %get3A_47 = vector.load %arg11[%get3A_44, %get3A_45, %get3A_46] : memref<10x1024x6xf32, #tpu.memory_space<vmem>>, vector<1x1024x6xf32>
    %get3A_48 = vector.shape_cast %get3A_47 : vector<1x1024x6xf32> to vector<1024x6xf32>
    %dot_general3A_49 = arith.constant dense<0.000000e+00> : vector<1x6xf32>
    %dot_general3A_50 = tpu.matmul %slice3A_43, %get3A_48, %dot_general3A_49 {dimension_numbers = #tpu.dot_dimension_numbers<[1], [0], [0], [1], [0, 0, 1, 1], [], []>, transpose_lhs_hint = false} : vector<1x1024xf32>, vector<1024x6xf32>, vector<1x6xf32> -> vector<1x6xf32>
    %add3A_51 = arith.addf %add3A_42, %dot_general3A_50 : vector<1x6xf32>
    %slice3A_52 = vector.extract_strided_slice %max3A_31 {offsets = [2, 0], sizes = [1, 1024], strides = [1, 1]} : vector<10x1024xf32> to vector<1x1024xf32>
    %get3A_53 = arith.constant 2 : index
    %get3A_54 = arith.constant 0 : index
    %get3A_55 = arith.constant 0 : index
    %get3A_56 = vector.load %arg11[%get3A_53, %get3A_54, %get3A_55] : memref<10x1024x6xf32, #tpu.memory_space<vmem>>, vector<1x1024x6xf32>
    %get3A_57 = vector.shape_cast %get3A_56 : vector<1x1024x6xf32> to vector<1024x6xf32>
    %dot_general3A_58 = arith.constant dense<0.000000e+00> : vector<1x6xf32>
    %dot_general3A_59 = tpu.matmul %slice3A_52, %get3A_57, %dot_general3A_58 {dimension_numbers = #tpu.dot_dimension_numbers<[1], [0], [0], [1], [0, 0, 1, 1], [], []>, transpose_lhs_hint = false} : vector<1x1024xf32>, vector<1024x6xf32>, vector<1x6xf32> -> vector<1x6xf32>
    %add3A_60 = arith.addf %add3A_51, %dot_general3A_59 : vector<1x6xf32>
    %slice3A_61 = vector.extract_strided_slice %max3A_31 {offsets = [3, 0], sizes = [1, 1024], strides = [1, 1]} : vector<10x1024xf32> to vector<1x1024xf32>
    %get3A_62 = arith.constant 3 : index
    %get3A_63 = arith.constant 0 : index
    %get3A_64 = arith.constant 0 : index
    %get3A_65 = vector.load %arg11[%get3A_62, %get3A_63, %get3A_64] : memref<10x1024x6xf32, #tpu.memory_space<vmem>>, vector<1x1024x6xf32>
    %get3A_66 = vector.shape_cast %get3A_65 : vector<1x1024x6xf32> to vector<1024x6xf32>
    %dot_general3A_67 = arith.constant dense<0.000000e+00> : vector<1x6xf32>
    %dot_general3A_68 = tpu.matmul %slice3A_61, %get3A_66, %dot_general3A_67 {dimension_numbers = #tpu.dot_dimension_numbers<[1], [0], [0], [1], [0, 0, 1, 1], [], []>, transpose_lhs_hint = false} : vector<1x1024xf32>, vector<1024x6xf32>, vector<1x6xf32> -> vector<1x6xf32>
    %add3A_69 = arith.addf %add3A_60, %dot_general3A_68 : vector<1x6xf32>
    %slice3A_70 = vector.extract_strided_slice %max3A_31 {offsets = [4, 0], sizes = [1, 1024], strides = [1, 1]} : vector<10x1024xf32> to vector<1x1024xf32>
    %get3A_71 = arith.constant 4 : index
    %get3A_72 = arith.constant 0 : index
    %get3A_73 = arith.constant 0 : index
    %get3A_74 = vector.load %arg11[%get3A_71, %get3A_72, %get3A_73] : memref<10x1024x6xf32, #tpu.memory_space<vmem>>, vector<1x1024x6xf32>
    %get3A_75 = vector.shape_cast %get3A_74 : vector<1x1024x6xf32> to vector<1024x6xf32>
    %dot_general3A_76 = arith.constant dense<0.000000e+00> : vector<1x6xf32>
    %dot_general3A_77 = tpu.matmul %slice3A_70, %get3A_75, %dot_general3A_76 {dimension_numbers = #tpu.dot_dimension_numbers<[1], [0], [0], [1], [0, 0, 1, 1], [], []>, transpose_lhs_hint = false} : vector<1x1024xf32>, vector<1024x6xf32>, vector<1x6xf32> -> vector<1x6xf32>
    %add3A_78 = arith.addf %add3A_69, %dot_general3A_77 : vector<1x6xf32>
    %slice3A_79 = vector.extract_strided_slice %max3A_31 {offsets = [5, 0], sizes = [1, 1024], strides = [1, 1]} : vector<10x1024xf32> to vector<1x1024xf32>
    %get3A_80 = arith.constant 5 : index
    %get3A_81 = arith.constant 0 : index
    %get3A_82 = arith.constant 0 : index
    %get3A_83 = vector.load %arg11[%get3A_80, %get3A_81, %get3A_82] : memref<10x1024x6xf32, #tpu.memory_space<vmem>>, vector<1x1024x6xf32>
    %get3A_84 = vector.shape_cast %get3A_83 : vector<1x1024x6xf32> to vector<1024x6xf32>
    %dot_general3A_85 = arith.constant dense<0.000000e+00> : vector<1x6xf32>
    %dot_general3A_86 = tpu.matmul %slice3A_79, %get3A_84, %dot_general3A_85 {dimension_numbers = #tpu.dot_dimension_numbers<[1], [0], [0], [1], [0, 0, 1, 1], [], []>, transpose_lhs_hint = false} : vector<1x1024xf32>, vector<1024x6xf32>, vector<1x6xf32> -> vector<1x6xf32>
    %add3A_87 = arith.addf %add3A_78, %dot_general3A_86 : vector<1x6xf32>
    %slice3A_88 = vector.extract_strided_slice %max3A_31 {offsets = [6, 0], sizes = [1, 1024], strides = [1, 1]} : vector<10x1024xf32> to vector<1x1024xf32>
    %get3A_89 = arith.constant 6 : index
    %get3A_90 = arith.constant 0 : index
    %get3A_91 = arith.constant 0 : index
    %get3A_92 = vector.load %arg11[%get3A_89, %get3A_90, %get3A_91] : memref<10x1024x6xf32, #tpu.memory_space<vmem>>, vector<1x1024x6xf32>
    %get3A_93 = vector.shape_cast %get3A_92 : vector<1x1024x6xf32> to vector<1024x6xf32>
    %dot_general3A_94 = arith.constant dense<0.000000e+00> : vector<1x6xf32>
    %dot_general3A_95 = tpu.matmul %slice3A_88, %get3A_93, %dot_general3A_94 {dimension_numbers = #tpu.dot_dimension_numbers<[1], [0], [0], [1], [0, 0, 1, 1], [], []>, transpose_lhs_hint = false} : vector<1x1024xf32>, vector<1024x6xf32>, vector<1x6xf32> -> vector<1x6xf32>
    %add3A_96 = arith.addf %add3A_87, %dot_general3A_95 : vector<1x6xf32>
    %slice3A_97 = vector.extract_strided_slice %max3A_31 {offsets = [7, 0], sizes = [1, 1024], strides = [1, 1]} : vector<10x1024xf32> to vector<1x1024xf32>
    %get3A_98 = arith.constant 7 : index
    %get3A_99 = arith.constant 0 : index
    %get3A_100 = arith.constant 0 : index
    %get3A_101 = vector.load %arg11[%get3A_98, %get3A_99, %get3A_100] : memref<10x1024x6xf32, #tpu.memory_space<vmem>>, vector<1x1024x6xf32>
    %get3A_102 = vector.shape_cast %get3A_101 : vector<1x1024x6xf32> to vector<1024x6xf32>
    %dot_general3A_103 = arith.constant dense<0.000000e+00> : vector<1x6xf32>
    %dot_general3A_104 = tpu.matmul %slice3A_97, %get3A_102, %dot_general3A_103 {dimension_numbers = #tpu.dot_dimension_numbers<[1], [0], [0], [1], [0, 0, 1, 1], [], []>, transpose_lhs_hint = false} : vector<1x1024xf32>, vector<1024x6xf32>, vector<1x6xf32> -> vector<1x6xf32>
    %add3A_105 = arith.addf %add3A_96, %dot_general3A_104 : vector<1x6xf32>
    %slice3A_106 = vector.extract_strided_slice %max3A_31 {offsets = [8, 0], sizes = [1, 1024], strides = [1, 1]} : vector<10x1024xf32> to vector<1x1024xf32>
    %get3A_107 = arith.constant 8 : index
    %get3A_108 = arith.constant 0 : index
    %get3A_109 = arith.constant 0 : index
    %get3A_110 = vector.load %arg11[%get3A_107, %get3A_108, %get3A_109] : memref<10x1024x6xf32, #tpu.memory_space<vmem>>, vector<1x1024x6xf32>
    %get3A_111 = vector.shape_cast %get3A_110 : vector<1x1024x6xf32> to vector<1024x6xf32>
    %dot_general3A_112 = arith.constant dense<0.000000e+00> : vector<1x6xf32>
    %dot_general3A_113 = tpu.matmul %slice3A_106, %get3A_111, %dot_general3A_112 {dimension_numbers = #tpu.dot_dimension_numbers<[1], [0], [0], [1], [0, 0, 1, 1], [], []>, transpose_lhs_hint = false} : vector<1x1024xf32>, vector<1024x6xf32>, vector<1x6xf32> -> vector<1x6xf32>
    %add3A_114 = arith.addf %add3A_105, %dot_general3A_113 : vector<1x6xf32>
    %slice3A_115 = vector.extract_strided_slice %max3A_31 {offsets = [9, 0], sizes = [1, 1024], strides = [1, 1]} : vector<10x1024xf32> to vector<1x1024xf32>
    %get3A_116 = arith.constant 9 : index
    %get3A_117 = arith.constant 0 : index
    %get3A_118 = arith.constant 0 : index
    %get3A_119 = vector.load %arg11[%get3A_116, %get3A_117, %get3A_118] : memref<10x1024x6xf32, #tpu.memory_space<vmem>>, vector<1x1024x6xf32>
    %get3A_120 = vector.shape_cast %get3A_119 : vector<1x1024x6xf32> to vector<1024x6xf32>
    %dot_general3A_121 = arith.constant dense<0.000000e+00> : vector<1x6xf32>
    %dot_general3A_122 = tpu.matmul %slice3A_115, %get3A_120, %dot_general3A_121 {dimension_numbers = #tpu.dot_dimension_numbers<[1], [0], [0], [1], [0, 0, 1, 1], [], []>, transpose_lhs_hint = false} : vector<1x1024xf32>, vector<1024x6xf32>, vector<1x6xf32> -> vector<1x6xf32>
    %add3A_123 = arith.addf %add3A_114, %dot_general3A_122 : vector<1x6xf32>
    %reduce_max3A = arith.constant dense<0xFF800000> : vector<1xf32>
    %reduce_max3A_124 = vector.multi_reduction <maximumf>, %add3A_123, %reduce_max3A [1] : vector<1x6xf32> to vector<1xf32>
    %broadcast_in_dim3A = vector.shape_cast %reduce_max3A_124 : vector<1xf32> to vector<1x1xf32>
    %sub3A = vector.broadcast %broadcast_in_dim3A : vector<1x1xf32> to vector<1x6xf32>
    %sub3A_125 = arith.subf %add3A_123, %sub3A : vector<1x6xf32>
    %exp3A = math.exp %sub3A_125 : vector<1x6xf32>
    %reduce_sum3A = arith.constant dense<0.000000e+00> : vector<1xf32>
    %reduce_sum3A_126 = vector.multi_reduction <add>, %exp3A, %reduce_sum3A [1] : vector<1x6xf32> to vector<1xf32>
    %broadcast_in_dim3A_127 = vector.shape_cast %reduce_sum3A_126 : vector<1xf32> to vector<1x1xf32>
    %div3A = vector.broadcast %broadcast_in_dim3A_127 : vector<1x1xf32> to vector<1x6xf32>
    %div3A_128 = arith.divf %exp3A, %div3A : vector<1x6xf32>
    %swap3A = arith.constant 0 : index
    %swap3A_129 = arith.constant 0 : index
    %swap3A_130 = vector.load %arg8[%swap3A, %swap3A_129] : memref<1x6xf32, #tpu.memory_space<vmem>>, vector<1x6xf32>
    tpu.vector_store %arg8[%swap3A, %swap3A_129], %div3A_128 {strides = array<i32>} : memref<1x6xf32, #tpu.memory_space<vmem>>, vector<1x6xf32>,
    return
  }
}

</mosaic_0001>

<sc_bundles>
// kernel: kernel.4.cloned.1.call-start
scs
__scs_entry_jumppad:
0x0: {  	(pc) =	sbr.rel $0x88, $3  }
0x1: {  	(tag) =	ssettag $0x0;
	lr =	simm.s32 $0x1  }
0x2: {  	[smem:$0x3F99] =	sst lr;
	_ =	strace $0xD0000000  }
0x3: {  	_ = 	snop  }
0x4: {  	_ = 	snop  }
0x5: {  	_ = 	snop  }
0x6: {  	_ = 	snop  }
0x7: {  	_ = 	snop  }
__scs_overlays_trampoline_lowered:
0x8: {  	[smem:$0x3FA8] =	sst s0  }
0x9: {  	[smem:$0x3FA9] =	sst s1  }
0xa: {  	[smem:$0x3FAA] =	sst s2  }
0xb: {  	[smem:$0x3FAB] =	sst s3  }
0xc: {  	[smem:$0x3FAC] =	sst s4  }
0xd: {  	[smem:$0x3FAD] =	sst s5  }
0xe: {  	[smem:$0x3FAE] =	sst s6  }
0xf: {  	[smem:$0x3FAF] =	sst s7  }
0x10: {  	[smem:$0x3FB0] =	sst s8  }
0x11: {  	[smem:$0x3FB1] =	sst s9;
	s0 =	simm.s32 @!p0 $0x0  }
0x12: {  	s1 =	sld [smem:$0x3F97];
	s0 =	simm.s32 @p0 $0x1  }
0x13: {  	[smem:$0x3FB2] =	sst s0;
	s0 =	simm.s32 @!p1 $0x0  }
0x14: {  	s2 =	sld [smem:$0x3F96];
	s0 =	simm.s32 @p1 $0x1  }
0x15: {  	[smem:$0x3FB3] =	sst s0;
	s0 =	simm.s32 @!p2 $0x0  }
0x16: {  	s3 =	sld [smem:$0x3FDB];
	s0 =	simm.s32 @p2 $0x1  }
0x17: {  	s4 =	simm.s32 $0x1BF5;
	[smem:$0x3FB5] =	sst s0  }
0x18: {  	s0 =	sld [smem:$0x3F98];
	_ =	swait.ge [sflag:s4], $0x0  }
0x19: {  	s7 =	sld [smem:$0x3F99]  }
0x1a: {  	s8 =	sadd.s32 $0xFFFFE003, lr  }
0x1b: {  	s9 =	sadd.s32 $0xFFFFFEF7, lr;
	s5 =	simm.s32 $0xFFFFFFFF;
	p2 =	slt.u32 s8, $0xFFFFF086  }
0x1c: {  	p1 =	slt.u32 s9, $0xF7A;
	s5 =	simm.s32 @!p2 $0x0  }
0x1d: {  	s5 =	simm.s32 @p1 $0x1;
	p0 =	seq.s32 s7, s2  }
0x1e: {  	s7 =	smul.u32 @!p0 $0xF7A, s2;
	p2 =	seq.s32 @!p0 s5, $0x0  }
0x1f: {  	s9 =	smul.u32 $0xF7A, s1;
	s8 =	simm.s32 @!p0 $0x1BF5;
	p2 =	por !p2, p0  }
0x20: {  	[sflag:s8] =	ssyncset.s32 @!p0 $0xFFFFF086;
	s6 =	sadd.s32 @!p0 s3, s7;
	s7 =	simm.s32 @!p0 $0x108  }
0x21: {  	s3 =	sadd.s32 s3, s9;
	s6 =	sadd.s32 @!p0 $0x88, s6;
	s7 =	simm.s32 @p2 $0x1082  }
0x22: {  	[simem:s7], [sflag:s8] =	dma.local @!p0 [hbm:s6], $0xF7A  }
0x23: {  	s9 =	sor.u32 $0xD0000000, s2;
	s6 =	simm.s32 $0x108;
	_ =	swait.ge @!p0 [sflag:s8], $0x0  }
0x24: {  	s3 =	sadd.s32 $0x88, s3;
	s6 =	simm.s32 @!p1 $0x1082;
	[sflag:s4] =	ssyncset.s32 $0xFFFFF086  }
0x25: {  	[simem:s6], [sflag:s4] =	dma.local [hbm:s3], $0xF7A  }
0x26: {  	[smem:$0x3F99] =	sst s1;
	(tag) =	ssettag s2;
	_ =	strace s9  }
0x27: {  	s1 =	sld [smem:$0x3FA9]  }
0x28: {  	s2 =	sld [smem:$0x3FAA]  }
0x29: {  	s4 =	sld [smem:$0x3FAC]  }
0x2a: {  	p0 =	seq.s32 s5, $0x0;
	s5 =	sld [smem:$0x3FAD]  }
0x2b: {  	s6 =	sld [smem:$0x3FAE]  }
0x2c: {  	s7 =	sld [smem:$0x3FAF]  }
0x2d: {  	s3 =	simm.s32 $0x108;
	s8 =	sld [smem:$0x3FB0]  }
0x2e: {  	s3 =	simm.s32 @!p0 $0x1082;
	s9 =	sld [smem:$0x3FB1]  }
0x2f: {  	lr =	sadd.s32 s0, s3;
	s0 =	sld [smem:$0x3FA8]  }
0x30: {  	s3 =	sld [smem:$0x3FAB]  }
0x31: {  	[smem:$0x3FB4] =	sst s10  }
0x32: {  	s10 =	sld [smem:$0x3FB2];
	_ =	sdelay $0x3  }
0x33: {  	p0 =	seq.s32 s10, $0x1;
	s10 =	sld [smem:$0x3FB4];
	_ =	sdelay $0x3  }
0x34: {  	[smem:$0x3FB4] =	sst s10  }
0x35: {  	s10 =	sld [smem:$0x3FB3];
	_ =	sdelay $0x3  }
0x36: {  	p1 =	seq.s32 s10, $0x1;
	s10 =	sld [smem:$0x3FB4];
	_ =	sdelay $0x3  }
0x37: {  	[smem:$0x3FB4] =	sst s10  }
0x38: {  	s10 =	sld [smem:$0x3FB5]  }
0x39: {  	_ = 	snop;
	(pc) =	sbr.ind lr, $3  }
0x3a: {  	_ = 	snop  }
0x3b: {  	_ = 	snop  }
0x3c: {  	p2 =	seq.s32 s10, $0x1;
	s10 =	sld [smem:$0x3FB4]  }
0x3d: {  	_ =	shalt  }
0x3e: {  	_ =	shalt  }
0x3f: {  	_ =	shalt  }
0x40: {  	_ =	shalt  }
0x41: {  	_ =	shalt  }
0x42: {  	_ =	shalt  }
0x43: {  	_ =	shalt  }
0x44: {  	_ =	shalt  }
0x45: {  	_ =	shalt  }
0x46: {  	_ =	shalt  }
0x47: {  	_ =	shalt  }
0x48: {  	_ =	shalt  }
0x49: {  	_ =	shalt  }
0x4a: {  	_ =	shalt  }
0x4b: {  	_ =	shalt  }
0x4c: {  	_ =	shalt  }
0x4d: {  	_ =	shalt  }
0x4e: {  	_ =	shalt  }
0x4f: {  	_ =	shalt  }
0x50: {  	_ =	shalt  }
0x51: {  	_ =	shalt  }
0x52: {  	_ =	shalt  }
0x53: {  	_ =	shalt  }
0x54: {  	_ =	shalt  }
0x55: {  	_ =	shalt  }
0x56: {  	_ =	shalt  }
0x57: {  	_ =	shalt  }
0x58: {  	_ =	shalt  }
0x59: {  	_ =	shalt  }
0x5a: {  	_ =	shalt  }
0x5b: {  	_ =	shalt  }
0x5c: {  	_ =	shalt  }
0x5d: {  	_ =	shalt  }
0x5e: {  	_ =	shalt  }
0x5f: {  	_ =	shalt  }
0x60: {  	_ =	shalt  }
0x61: {  	_ =	shalt  }
0x62: {  	_ =	shalt  }
0x63: {  	_ =	shalt  }
0x64: {  	_ =	shalt  }
0x65: {  	_ =	shalt  }
0x66: {  	_ =	shalt  }
0x67: {  	_ =	shalt  }
0x68: {  	_ =	shalt  }
0x69: {  	_ =	shalt  }
0x6a: {  	_ =	shalt  }
0x6b: {  	_ =	shalt  }
0x6c: {  	_ =	shalt  }
0x6d: {  	_ =	shalt  }
0x6e: {  	_ =	shalt  }
0x6f: {  	_ =	shalt  }
0x70: {  	_ =	shalt  }
0x71: {  	_ =	shalt  }
0x72: {  	_ =	shalt  }
0x73: {  	_ =	shalt  }
0x74: {  	_ =	shalt  }
0x75: {  	_ =	shalt  }
0x76: {  	_ =	shalt  }
0x77: {  	_ =	shalt  }
0x78: {  	_ =	shalt  }
0x79: {  	_ =	shalt  }
0x7a: {  	_ =	shalt  }
0x7b: {  	_ =	shalt  }
0x7c: {  	_ =	shalt  }
0x7d: {  	_ =	shalt  }
0x7e: {  	_ =	shalt  }
0x7f: {  	_ =	shalt  }
0x80: {  	_ =	shalt  }
0x81: {  	_ =	shalt  }
0x82: {  	_ =	shalt  }
0x83: {  	_ =	shalt  }
0x84: {  	_ =	shalt  }
0x85: {  	_ =	shalt  }
0x86: {  	_ =	shalt  }
0x87: {  	_ =	shalt  }
.Lfunc_end0:
.L_simem_size_0:
called_computation_lowered:
.L_overlay_start_0:
0x88: {  	s2 =	sld [smem:$0x3FD9]  }
0x89: {  	s3 =	sld [smem:$0x3FFE];
	_ =	sdelay $0x1  }
0x8a: {  	s1 =	srdreg.scid  }
0x8b: {  	s0 =	sand.u32 $0x1, s1  }
0x8c: {  	s17 =	sshll.u32 s0, $0xA;
	s2 =	sadd.s32 s3, s2  }
0x8d: {  	s2 =	sadd.s32 s2, s17  }
0x8e: {  	[smem:$0x3FC0] =	sst s2  }
0x8f: {  	_ = 	snop  }
0x90: {  	s2 =	sld [smem:$0x3FD0];
	(tm) =	ssettm $0x1  }
0x91: {  	s18 =	sld [smem:$0x3FFB];
	_ =	sdelay $0x3  }
0x92: {  	_ =	strace s18  }
0x93: {  	s3 =	sld [smem:$0x3FFC];
	_ =	sdelay $0x3  }
0x94: {  	_ =	strace s3  }
0x95: {  	s3 =	sld [smem:$0x3FFD];
	_ =	sdelay $0x3  }
0x96: {  	_ =	strace s3  }
0x97: {  	_ =	strace $0x8FFFFFFF  }
0x98: {  	s19 =	sld [smem:$0x3FDB];
	_ =	sdelay $0x1  }
0x99: {  	s4 =	simm.s32 $_scs_section_size  }
0x9a: {  	s5 =	simm.s32 $_size__tile_overlayer_lowered;
	s6 =	simm.s32 $_tile_overlayer_lowered  }
0x9b: {  	s22 =	simm.s32 $0x1BFF;
	s21 =	sshll.u32 s6, $0x1;
	s3 =	sadd.s32 s4, s19  }
0x9c: {  	s7 =	simm.s32 $0x0;
	s20 =	sshll.u32 s5, $0x1;
	s5 =	sadd.s32 s21, s3  }
0x9d: {  	[timem:s7], [sflag:s22] =	dma.local [hbm:s5], s20  }
0x9e: {  	_ =	swait.ge [sflag:s22], s20  }
0x9f: {  	s4 =	ssub.s32 $0x0, s20;
	[sflag:s22] =	ssyncset.done $0x0  }
0xa0: {  	[sflag:s22] =	ssyncadd.s32 s4;
	_ =	sdelay $0x1  }
0xa1: {  	s23 =	simm.s32 $0x1B8B  }
0xa2: {  	_ =	swait.ge [sflag:s23], $0x1  }
0xa3: {  	[sflag:s23] =	ssyncset.done $0x0  }
0xa4: {  	s25 =	simm.s32 $0x1B8E;
	s24 =	sld [smem:$0x3FFE];
	[sflag:s23] =	ssyncadd.s32 $0xFFFFFFFF  }
0xa5: {  	s26 =	simm.s32 $execute0_lowered;
	[smem:$0x3FD2] =	sst s25  }
0xa6: {  	s5 =	sshll.u32 s26, $0x1;
	_ =	strace $0x80000046;
	[dreg:$0x1] =	wrdreg $0xFFFFFFFF  }
0xa7: {  	s28 =	simm.s32 $_size_execute0_lowered;
	s3 =	sadd.s32 s3, s5;
	[dreg:$0x0] =	wrdreg $0x0  }
0xa8: {  	s5 =	sshll.u32 s28, $0x1;
	[dreg:$0x2] =	wrdreg s3  }
0xa9: {  	[dreg:$0x3] =	wrdreg s5  }
0xaa: {  	[dreg:$0x4] =	wrdreg $0xC0  }
0xab: {  	_ =	task [dreg:s7], $0x5FFFF  }
0xac: {  	[dreg:$0x1] =	wrdreg $0xFFFFFFFF  }
0xad: {  	[dreg:$0x0] =	wrdreg $0x60  }
0xae: {  	[dreg:$0x2] =	wrdreg s24  }
0xaf: {  	[dreg:$0x3] =	wrdreg s2  }
0xb0: {  	[dreg:$0x4] =	wrdreg $0x9  }
0xb1: {  	_ =	task.clear_ibuf [dreg:s7], $0x5FFFF;
	_ =	strace $0x90000046  }
0xb2: {  	s29 =	simm.s32 $0x9;
	_ =	strace $0x80000048  }
0xb3: {  	_ =	swait.ge [sflag:s29], $0x1  }
0xb4: {  	[sflag:s29] =	ssyncadd.s32 $0xFFFFFFFF  }
0xb5: {  	_ =	strace $0x90000048  }
0xb6: {  	_ =	sfence  }
0xb7: {  	s30 =	sld [smem:$0x0];
	_ =	sdelay $0x2  }
0xb8: {  	s31 =	sshll.u32 s1, $0xD;
	s1 =	sshrl.u32 s1, $0x2  }
0xb9: {  	s3 =	sand.u32 $0x4000, s31;
	s1 =	sadd.s32 s1, s30  }
0xba: {  	s0 =	sor.u32 s3, s0;
	s1 =	sshll.u32 s1, $0x11  }
0xbb: {  	s0 =	sor.u32 s1, s0  }
0xbc: {  	s0 =	sadd.s32 $0x8F2B, s0  }
0xbd: {  	[sflag:s0] =	ssyncadd.remote.s32 $0x1  }
0xbe: {  	_ =	sfence.sel $0xFFFF  }
0xbf: {  	[dreg:$0x0] =	wrdreg $0xFFFFFFFF;
	(pc) =	sbr.abs _section_cstart, $3  }
0xc0: {  	[dreg:$0x1] =	wrdreg $0xFFFFFFFF  }
0xc1: {  	_ =	task.clear_ibuf [dreg:s7], $0x2FFFF;
	_ =	strace $0x9FFFFFFF  }
0xc2: {  	(tm) =	ssettm $0x7FFFFFFF  }
0xc3: {  	_ =	shalt  }
tec
execute0_lowered:
.L_overlay_start_1:
0x0: {  	(tag) =	ssettag $0x1  }
0x1: {  	s0 =	srdreg.scid  }
0x2: {  	s3 =	sand.u32 $0x1, s0;
	s0 =	stileid.u32  }
0x3: {  	s5 =	sor.u32 s0, s3  }
0x4: {  	p0 =	sne.s32 s5, $0x0  }
.Ltmp0:
0x5: {  	_ = 	snop;
	(pc) =	sbr.rel @p0 .LBB2_3-.Ltmp0, $4  }
0x6: {  	_ = 	snop  }
0x7: {  	s4 =	rddreg [dreg:$0x0]  }
0x8: {  	s2 =	rddreg [dreg:$0x1]  }
0x9: {  	s1 =	rddreg [dreg:$0x2];
	_ =	strace $0x80000047  }
0xa: {  	s5 =	ssub.s32 $0x2, s3  }
0xb: {  	s3 =	sadd.s32 $0x1400, s4;
	s4 =	sadd.s32 $0x1600, s4;
	s7 =	simm.s32 $0x1  }
0xc: {  	v2 =	vlaneseq.u32;
	s8 =	simm.s32 $0x80;
	s9 =	simm.s32 $0x100;
	s6 =	sshrl.u32 s5, $0x1  }
0xd: {  	v0 =	vimm.f32 $0.0e+00;
	v1 =	vimm.f32 $1.000000000e+00;
	s10 =	simm.s32 $0x180;
	v2 =	vmul.u32 $0x81, v2;
	s5 =	ssub.s32 s5, s6;
	s6 =	simm.s32 $0x0  }
.LBB2_2:
0xe: {  	[tilespmem:s6], [sflag:$0x1] =	stream.linear.gather [hbm4b:s3+s6], $0x80, $0x38;
	[tilespmem:$0x980] =	vst v63  }
0xf: {  	_ =	swait.ge [sflag:s7], $0x80  }
0x10: {  	[sflag:s7] =	ssyncset.done $0x0  }
0x11: {  	[sflag:s7] =	ssyncadd.s32 $0xFFFFFF80  }
0x12: {  	[tilespmem:s8], [sflag:$0x1] =	stream.linear.gather [hbm4b:s2+s6], $0x80, $0x38;
	[tilespmem:$0x980] =	vst v63  }
0x13: {  	_ =	swait.ge [sflag:s7], $0x80  }
0x14: {  	[sflag:s7] =	ssyncset.done $0x0  }
0x15: {  	[sflag:s7] =	ssyncadd.s32 $0xFFFFFF80  }
0x16: {  	[tilespmem:$0x100] =	vst v0  }
0x17: {  	[tilespmem:$0x180] =	vst v0  }
0x18: {  	[tilespmem:$0x200] =	vst v0  }
0x19: {  	[tilespmem:$0x280] =	vst v0  }
0x1a: {  	[tilespmem:$0x300] =	vst v0  }
0x1b: {  	[tilespmem:$0x380] =	vst v0  }
0x1c: {  	[tilespmem:$0x400] =	vst v0  }
0x1d: {  	[tilespmem:$0x480] =	vst v0  }
0x1e: {  	[tilespmem:$0x500] =	vst v0  }
0x1f: {  	[tilespmem:$0x580] =	vst v0;
	v3 =	vld [tilespmem:$0x80]  }
0x20: {  	[tilespmem:$0x600] =	vst v0  }
0x21: {  	[tilespmem:$0x680] =	vst v0  }
0x22: {  	[tilespmem:$0x700] =	vst v0  }
0x23: {  	[tilespmem:$0x780] =	vst v0  }
0x24: {  	[tilespmem:$0x800] =	vst v0  }
0x25: {  	[tilespmem:$0x880] =	vst v0  }
0x26: {  	[tilespmem:$0x900] =	vst v0  }
0x27: {  	[tilespmem:v3+s9+$0x0] =	vst.idx.add.f32.msk $0xffff, v1  }
0x28: {  	v3 =	vld [tilespmem:$0x90];
	_ =	sdelay $0x7  }
0x29: {  	[tilespmem:v3+s9+$0x0] =	vst.idx.add.f32.msk $0xffff, v1  }
0x2a: {  	v3 =	vld [tilespmem:$0xA0];
	_ =	sdelay $0x7  }
0x2b: {  	[tilespmem:v3+s9+$0x0] =	vst.idx.add.f32.msk $0xffff, v1  }
0x2c: {  	v3 =	vld [tilespmem:$0xB0];
	_ =	sdelay $0x7  }
0x2d: {  	[tilespmem:v3+s9+$0x0] =	vst.idx.add.f32.msk $0xffff, v1  }
0x2e: {  	v3 =	vld [tilespmem:$0xC0];
	_ =	sdelay $0x7  }
0x2f: {  	[tilespmem:v3+s9+$0x0] =	vst.idx.add.f32.msk $0xffff, v1  }
0x30: {  	v3 =	vld [tilespmem:$0xD0];
	_ =	sdelay $0x7  }
0x31: {  	[tilespmem:v3+s9+$0x0] =	vst.idx.add.f32.msk $0xffff, v1  }
0x32: {  	v3 =	vld [tilespmem:$0x100];
	_ =	sdelay $0x4  }
0x33: {  	v3 =	vadd.f32 $1.000000000e+00, v3;
	_ =	sdelay $0x1  }
0x34: {  	v4 =	vshra.s32 v3, $0x1;
	v3 =	vmul.f32 $5.000000000e-01, v3  }
0x35: {  	v4 =	vsub.s32 $0x5F3759DF, v4  }
0x36: {  	v5 =	vmul.f32 v4, v3;
	_ =	sdelay $0x1  }
0x37: {  	v5 =	vmul.f32 v4, v5;
	_ =	sdelay $0x1  }
0x38: {  	v5 =	vsub.f32 $1.500000000e+00, v5;
	_ =	sdelay $0x1  }
0x39: {  	v4 =	vmul.f32 v4, v5;
	_ =	sdelay $0x1  }
0x3a: {  	v5 =	vmul.f32 v4, v3;
	_ =	sdelay $0x1  }
0x3b: {  	v5 =	vmul.f32 v5, v4;
	_ =	sdelay $0x1  }
0x3c: {  	v5 =	vsub.f32 $1.500000000e+00, v5;
	_ =	sdelay $0x1  }
0x3d: {  	v4 =	vmul.f32 v5, v4;
	_ =	sdelay $0x1  }
0x3e: {  	v5 =	vmul.f32 v4, v3;
	_ =	sdelay $0x1  }
0x3f: {  	v5 =	vmul.f32 v5, v4;
	_ =	sdelay $0x1  }
0x40: {  	v5 =	vsub.f32 $1.500000000e+00, v5;
	_ =	sdelay $0x1  }
0x41: {  	v4 =	vmul.f32 v5, v4;
	_ =	sdelay $0x1  }
0x42: {  	v3 =	vmul.f32 v4, v3  }
0x43: {  	v42 =	vld [tilespmem:$0x0]  }
0x44: {  	v6 =	vld [tilespmem:$0x80];
	v3 =	vmul.f32 v3, v4;
	_ =	sdelay $0x1  }
0x45: {  	v3 =	vsub.f32 $1.500000000e+00, v3;
	_ =	sdelay $0x1  }
0x46: {  	v3 =	vmul.f32 v3, v4;
	_ =	sdelay $0x1  }
0x47: {  	[tilespmem:$0x100] =	vst v3  }
0x48: {  	v43 =	vld.idx.msk [tilespmem:v42+s9+$0x0], $0xffff  }
0x49: {  	v7 =	vand.u32 $0xFFFFFF80, v42;
	v8 =	vld.idx.msk [tilespmem:v6+s9+$0x0], $0xffff;
	v6 =	vshll.u32 v6, $0x7  }
0x4a: {  	v5 =	vand.u32 $0x7F, v42;
	v6 =	vadd.s32 v7, v6  }
0x4b: {  	v5 =	vor.u32 v5, v6;
	_ =	sdelay $0x2  }
0x4c: {  	v4 =	vmul.f32 v8, v43;
	_ =	sdelay $0x1  }
0x4d: {  	[tilespmem:v5+s10+$0x0] =	vst.idx.add.f32.msk $0xffff, v4  }
0x4e: {  	v4 =	vld [tilespmem:$0x10]  }
0x4f: {  	v5 =	vld [tilespmem:$0x90];
	_ =	sdelay $0x6  }
0x50: {  	v44 =	vld.idx.msk [tilespmem:v4+s9+$0x0], $0xffff  }
0x51: {  	v45 =	vand.u32 $0xFFFFFF80, v4;
	v46 =	vld.idx.msk [tilespmem:v5+s9+$0x0], $0xffff;
	v5 =	vshll.u32 v5, $0x7  }
0x52: {  	v4 =	vand.u32 $0x7F, v4;
	v5 =	vadd.s32 v45, v5  }
0x53: {  	v4 =	vor.u32 v4, v5;
	_ =	sdelay $0x2  }
0x54: {  	v47 =	vmul.f32 v46, v44;
	_ =	sdelay $0x1  }
0x55: {  	[tilespmem:v4+s10+$0x0] =	vst.idx.add.f32.msk $0xffff, v47  }
0x56: {  	v4 =	vld [tilespmem:$0x20]  }
0x57: {  	v5 =	vld [tilespmem:$0xA0];
	_ =	sdelay $0x6  }
0x58: {  	v48 =	vld.idx.msk [tilespmem:v4+s9+$0x0], $0xffff  }
0x59: {  	v49 =	vand.u32 $0xFFFFFF80, v4;
	v50 =	vld.idx.msk [tilespmem:v5+s9+$0x0], $0xffff;
	v5 =	vshll.u32 v5, $0x7  }
0x5a: {  	v4 =	vand.u32 $0x7F, v4;
	v5 =	vadd.s32 v49, v5  }
0x5b: {  	v4 =	vor.u32 v4, v5;
	_ =	sdelay $0x2  }
0x5c: {  	v51 =	vmul.f32 v50, v48;
	_ =	sdelay $0x1  }
0x5d: {  	[tilespmem:v4+s10+$0x0] =	vst.idx.add.f32.msk $0xffff, v51  }
0x5e: {  	v4 =	vld [tilespmem:$0x30]  }
0x5f: {  	v5 =	vld [tilespmem:$0xB0];
	_ =	sdelay $0x6  }
0x60: {  	v52 =	vld.idx.msk [tilespmem:v4+s9+$0x0], $0xffff  }
0x61: {  	v53 =	vand.u32 $0xFFFFFF80, v4;
	v54 =	vld.idx.msk [tilespmem:v5+s9+$0x0], $0xffff;
	v5 =	vshll.u32 v5, $0x7  }
0x62: {  	v4 =	vand.u32 $0x7F, v4;
	v5 =	vadd.s32 v53, v5  }
0x63: {  	v4 =	vor.u32 v4, v5;
	_ =	sdelay $0x2  }
0x64: {  	v55 =	vmul.f32 v54, v52;
	_ =	sdelay $0x1  }
0x65: {  	[tilespmem:v4+s10+$0x0] =	vst.idx.add.f32.msk $0xffff, v55  }
0x66: {  	v4 =	vld [tilespmem:$0x40]  }
0x67: {  	v5 =	vld [tilespmem:$0xC0];
	_ =	sdelay $0x6  }
0x68: {  	v56 =	vld.idx.msk [tilespmem:v4+s9+$0x0], $0xffff  }
0x69: {  	v57 =	vand.u32 $0xFFFFFF80, v4;
	v58 =	vld.idx.msk [tilespmem:v5+s9+$0x0], $0xffff;
	v5 =	vshll.u32 v5, $0x7  }
0x6a: {  	v4 =	vand.u32 $0x7F, v4;
	v5 =	vadd.s32 v57, v5  }
0x6b: {  	v4 =	vor.u32 v4, v5;
	_ =	sdelay $0x2  }
0x6c: {  	v59 =	vmul.f32 v58, v56;
	_ =	sdelay $0x1  }
0x6d: {  	[tilespmem:v4+s10+$0x0] =	vst.idx.add.f32.msk $0xffff, v59  }
0x6e: {  	v4 =	vld [tilespmem:$0x50]  }
0x6f: {  	v5 =	vld [tilespmem:$0xD0];
	_ =	sdelay $0x6  }
0x70: {  	v60 =	vld.idx.msk [tilespmem:v4+s9+$0x0], $0xffff  }
0x71: {  	v61 =	vand.u32 $0xFFFFFF80, v4;
	v62 =	vld.idx.msk [tilespmem:v5+s9+$0x0], $0xffff;
	v5 =	vshll.u32 v5, $0x7  }
0x72: {  	v4 =	vand.u32 $0x7F, v4;
	v5 =	vadd.s32 v61, v5  }
0x73: {  	v4 =	vor.u32 v4, v5;
	_ =	sdelay $0x2  }
0x74: {  	v63 =	vmul.f32 v62, v60  }
0x75: {  	v3 =	vmul.f32 v3, v3  }
0x76: {  	p0 =	sne.s32 s5, $0x1;
	[tilespmem:v4+s10+$0x0] =	vst.idx.add.f32.msk $0xffff, v63  }
.Ltmp1:
0x77: {  	[tilespmem:v2+s10+$0x0] =	vst.idx.add.f32.msk $0xffff, v3;
	(pc) =	sbr.rel @p0 .LBB2_2-.Ltmp1, $4  }
0x78: {  	[hbm4b:s4+s6] =	stream.linear.scatter [tilespmem:s10], [sflag:$0x1], $0x800, $0x38;
	[tilespmem:$0x980] =	vst v63  }
0x79: {  	_ =	swait.ge [sflag:s7], $0x800  }
0x7a: {  	[sflag:s7] =	ssyncset.done $0x0  }
0x7b: {  	s5 =	sadd.s32 $0xFFFFFFFF, s5;
	[sflag:s7] =	ssyncadd.s32 $0xFFFFF800  }
.LBB2_3:
0x7c: {  	_ =	sfence.sel $0x180000  }
0x7d: {  	[bflag:$0x0] =	sbarrier.arrive $0xFFFF  }
0x7e: {  	p0 =	sne.s32 s0, $0x0;
	_ =	strace $0x90000047  }
0x7f: {  	s0 =	sadd.s32 @!p0 $0x100000, s1;
	[bflag:$0x2] =	sbarrier.arrive $0xFFFF  }
0x80: {  	[sflag:s0] =	ssyncadd.tile.s32 @!p0 $0x1;
	_ =	shalt  }
.Lfunc_end2:
_tile_overlayer_lowered:
.L_overlay_start_2:
0x81: {  	(tag) =	ssettag $0x2  }
0x82: {  	s0 =	rddreg [dreg:$0x0];
	s2 =	stileid.u32  }
0x83: {  	s1 =	rddreg [dreg:$0x1];
	p0 =	sne.s32 s2, $0x0  }
0x84: {  	s3 =	rddreg [dreg:$0x2];
	[bflag:$0x3] =	sbarrier.arrive $0xFFFF;
	s2 =	simm.s32 @!p0 $0x1C01  }
0x85: {  	[timem:s3], [sflag:s2] =	dma.local @!p0 [hbm:s0], s1  }
0x86: {  	s0 =	simm.s32 @!p0 $0x1  }
0x87: {  	_ =	swait.ge @!p0 [sflag:s0], s1  }
0x88: {  	s1 =	ssub.s32 @!p0 $0x0, s1;
	[sflag:s0] =	ssyncset.done @!p0 $0x0  }
0x89: {  	[sflag:s0] =	ssyncadd.s32 @!p0 s1  }
0x8a: {  	[bflag:$0x3] =	sbarrier.arrive $0xFFFF  }
0x8b: {  	_ =	shalt  }

</sc_bundles>
